<compile_context>
chip_gen: v7x
topology: tpu7x:2x2x1
jax: 0.10.2.dev20260603
libtpu: 0.0.44.dev20260713+nightly
codegen_flags: <defaults>
</compile_context>

<pallas_src>
import functools

import jax
import jax.numpy as jnp
from jax import lax
from jax.experimental import pallas as pl
from jax.experimental.pallas import tpu as pltpu
from jax.experimental.pallas import tpu_sc as plsc

_B, _F, _D, _V = 16384, 26, 64, 100000
_NC, _NS = 2, 16
_NW = _NC * _NS
_RW = _B // _NW
_PW = _RW * _F
_CHUNK = 128
_QC = _RW // _CHUNK
_NCHUNK = _F * _QC
_BBL = 2048
_NBL = _B // _BBL


def _lr_sparsecore(idx_t, lr_table):
    mesh = plsc.VectorSubcoreMesh(core_axis_name="c", subcore_axis_name="s")

    @functools.partial(
        pl.kernel,
        mesh=mesh,
        compiler_params=pltpu.CompilerParams(needs_layout_passes=False),
        out_type=jax.ShapeDtypeStruct((_B,), jnp.float32),
        scratch_types=[
            pltpu.VMEM((_F, _RW), jnp.int32),
            pltpu.VMEM((_NCHUNK, _CHUNK), jnp.int32),
            pltpu.VMEM((_PW,), jnp.float32),
            pltpu.VMEM((_RW,), jnp.float32),
            pltpu.SemaphoreType.DMA,
        ],
    )
    def lr_kernel(idx_hbm, table_hbm, out_hbm, idx_v, idx2_v, vals_v, acc_v,
                  sem):
        wid = lax.axis_index("s") * _NC + lax.axis_index("c")
        base = wid * _RW

        pltpu.sync_copy(idx_hbm.at[:, pl.ds(base, _RW)], idx_v)

        @pl.loop(0, _NCHUNK)
        def _offset_and_fire(c):
            f = c // _QC
            col0 = (c % _QC) * _CHUNK
            off = f * jnp.int32(_V)
            for u in range(_CHUNK // 16):
                sl = pl.ds(u * 16, 16)
                idx2_v[c, sl] = idx_v[f, pl.ds(col0 + u * 16, 16)] + off
            dst = vals_v.at[pl.ds(pl.multiple_of(c * _CHUNK, _CHUNK), _CHUNK)]
            pltpu.async_copy(table_hbm.at[idx2_v.at[c]], dst, sem)

        pltpu.make_async_copy(table_hbm.at[pl.ds(0, _PW)], vals_v, sem).wait()

        @pl.loop(0, _RW // 16)
        def _reduce(g):
            pos0 = (g // 8) * _CHUNK + (g % 8) * 16
            acc = jnp.zeros((16,), jnp.float32)
            for f in range(_F):
                acc = acc + vals_v[pl.ds(pos0 + f * _QC * _CHUNK, 16)]
            acc_v[pl.ds(pl.multiple_of(g * 16, 16), 16)] = acc

        pltpu.sync_copy(acc_v, out_hbm.at[pl.ds(base, _RW)])

    return lr_kernel(idx_t, lr_table)


def _fm_body(x_ref, o_ref):
    xb = x_ref[...]
    s = jnp.sum(xb, axis=0)
    p = jnp.sum(xb * xb, axis=0)
    r = s * s - p
    o_ref[0, 0, :] = 0.5 * jnp.sum(r, axis=0)


def _fm_tensorcore(xt):
    return pl.pallas_call(
        _fm_body,
        grid=(_NBL,),
        in_specs=[pl.BlockSpec((_F, _D, _BBL), lambda i: (0, 0, i))],
        out_specs=pl.BlockSpec((1, 1, _BBL), lambda i: (i, 0, 0)),
        out_shape=jax.ShapeDtypeStruct((_NBL, 1, _BBL), jnp.float32),
        compiler_params=pltpu.CompilerParams(
            vmem_limit_bytes=56 * 1024 * 1024
        ),
    )(xt)


def _combine_body(fm_ref, lr_ref, b_ref, o_ref):
    o_ref[...] = fm_ref[...] + lr_ref[...] + b_ref[0, 0]


def _combine(fm2d, lr2d, bias2d):
    return pl.pallas_call(
        _combine_body,
        in_specs=[
            pl.BlockSpec((128, 128), lambda: (0, 0)),
            pl.BlockSpec((128, 128), lambda: (0, 0)),
            pl.BlockSpec((1, 1), lambda: (0, 0)),
        ],
        out_specs=pl.BlockSpec((128, 128), lambda: (0, 0)),
        out_shape=jax.ShapeDtypeStruct((128, 128), jnp.float32),
    )(fm2d, lr2d, bias2d)


def kernel(data_indices, x, lr_table, bias):
    idx_t = jnp.transpose(data_indices.astype(jnp.int32))
    xt = jnp.transpose(x, (1, 2, 0))
    lr = _lr_sparsecore(idx_t, lr_table)
    fm = _fm_tensorcore(xt)
    out = _combine(
        fm.reshape(128, 128), lr.reshape(128, 128), bias.reshape(1, 1)
    )
    return out.reshape(_B, 1)

# --- scband reference (transcript-rebuilt; emitter-appended) ---
"""Pipeline reference for scband-fmblock-81810537054271 (READ-ONLY COPY).

The authoritative reference and input builder live on the scoring server;
editing this copy changes nothing except your own understanding.
"""

import jax, jax.numpy as jnp
import numpy as np

B, F, D, V = 16384, 26, 64, 100000

def setup_inputs(seed: int = 0) -> dict:
    key = jax.random.key(seed)
    k1, k2, k3 = jax.random.split(key, 3)
    data_indices = jax.random.randint(k1, (B, F), 0, V)
    x = jax.random.normal(k2, (B, F, D), dtype=jnp.float32)
    # LR embedding tables: one table of dim 1 per field, flattened into a single
    # [F * V] table (field f's rows live at offset f*V). nn.Embedding default init ~ N(0,1).
    lr_table = jax.random.normal(k3, (F * V,), dtype=jnp.float32) * 0.01
    bias = jnp.zeros((1,), dtype=jnp.float32)
    return {"data_indices": data_indices, "x": x, "lr_table": lr_table, "bias": bias}

def reference(data_indices, x, lr_table, bias):
    # LogisticRegression: per-field embedding lookup to dim 1, concat over fields, sum + bias.
    # data_indices: [B, F]; offset each field's indices into the flattened table.
    offsets = jnp.arange(F, dtype=data_indices.dtype) * V  # [F]
    flat_idx = data_indices + offsets[None, :]             # [B, F]
    emb = jnp.take(lr_table, flat_idx.reshape(-1), axis=0).reshape(B, F)  # [B, F]
    lr_out = jnp.sum(emb, axis=1, keepdims=True) + bias    # [B, 1]
    # InnerProductInteraction (FM bi-interaction) on x: [B, F, D]
    sum_of_square = jnp.sum(x, axis=1) ** 2                # [B, D]
    square_of_sum = jnp.sum(x ** 2, axis=1)                # [B, D]
    bi_interaction = (sum_of_square - square_of_sum) * 0.5 # [B, D]
    fm_out = jnp.sum(bi_interaction, axis=-1, keepdims=True)  # [B, 1]
    return lr_out + fm_out

if __name__ == "__main__":
    import jax
    _d = setup_inputs()
    print(jax.jit(kernel)(*tuple(_d.values())))

</pallas_src>

<mosaic_0001>
#map = affine_map<(d0, d1) -> (0, 0)>
#map1 = affine_map<(d0, d1) -> (0)>
module attributes {stable_mosaic.version = 14 : i64} {
  func.func @lr_kernel(%arg0: i32, %arg1: i32, %arg2: memref<26x16384xi32, #tpu.memory_space<hbm>>, %arg3: memref<2600000xf32, #tpu.memory_space<hbm>>, %arg4: memref<16384xf32, #tpu.memory_space<hbm>>, %arg5: memref<26x512xi32, #tpu.memory_space<vmem>>, %arg6: memref<104x128xi32, #tpu.memory_space<vmem>>, %arg7: memref<13312xf32, #tpu.memory_space<vmem>>, %arg8: memref<512xf32, #tpu.memory_space<vmem>>, %arg9: memref<!tpu.dma_semaphore, #tpu.memory_space<semaphore_mem>>) attributes {dimension_semantics = [#tpu.dimension_semantics<core_parallel>, #tpu.dimension_semantics<subcore_parallel>], iteration_bounds = array<i64: 2, 16>, scalar_prefetch = 0 : i64, scratch_operands = 5 : i64, tpu.core_type = #tpu.core_type<sc_vector_subcore>, window_params = [{transform_indices = #map}, {transform_indices = #map1}, {transform_indices = #map1}]} {
    %mul3A = arith.constant 2 : i32
    %mul3A_0 = arith.muli %arg1, %mul3A : i32
    %add3A = arith.addi %mul3A_0, %arg0 : i32
    %mul3A_1 = arith.constant 512 : i32
    %mul3A_2 = arith.muli %add3A, %mul3A_1 : i32
    "tpu.region"() ({
      %run_scoped3A = tpu.sem_alloc : memref<!tpu.dma_semaphore, #tpu.memory_space<semaphore_mem>>
      %dma_start3A = arith.constant 0 : i32
      %dma_start3A_15 = tpu.memref_slice %arg2[%dma_start3A, %mul3A_2] : memref<26x16384xi32, #tpu.memory_space<hbm>> -> memref<26x512xi32, #tpu.memory_space<hbm>>
      %dma_start3A_16 = arith.constant 0 : i32
      %dma_start3A_17 = tpu.memref_slice %arg2[%dma_start3A_16, %mul3A_2] : memref<26x16384xi32, #tpu.memory_space<hbm>> -> memref<26x512xi32, #tpu.memory_space<hbm>>
      tpu.enqueue_dma source(%dma_start3A_17 : memref<26x512xi32, #tpu.memory_space<hbm>>) target(%arg5 : memref<26x512xi32, #tpu.memory_space<vmem>>) target_semaphore(%run_scoped3A : memref<!tpu.dma_semaphore, #tpu.memory_space<semaphore_mem>>)
      %dma_wait3A_18 = arith.constant 0 : i32
      %dma_wait3A_19 = tpu.memref_slice %arg2[%dma_wait3A_18, %mul3A_2] : memref<26x16384xi32, #tpu.memory_space<hbm>> -> memref<26x512xi32, #tpu.memory_space<hbm>>
      %dma_wait3A_20 = arith.constant 0 : i32
      %dma_wait3A_21 = tpu.memref_slice %arg2[%dma_wait3A_20, %mul3A_2] : memref<26x16384xi32, #tpu.memory_space<hbm>> -> memref<26x512xi32, #tpu.memory_space<hbm>>
      tpu.wait_dma2 semaphore(%run_scoped3A : memref<!tpu.dma_semaphore, #tpu.memory_space<semaphore_mem>>) src(%dma_wait3A_21 : memref<26x512xi32, #tpu.memory_space<hbm>>) dst(%arg5 : memref<26x512xi32, #tpu.memory_space<vmem>>)
      tpu.yield
    }) : () -> ()
    %scan3A = arith.constant 0 : i32
    %scan3A_3 = arith.constant 104 : i32
    %scan3A_4 = arith.addi %scan3A, %scan3A_3 : i32
    %scan3A_5 = arith.constant 1 : i32
    scf.for %scan3A_15 = %scan3A to %scan3A_4 step %scan3A_5  : i32 {
      %mul3A_16 = arith.constant 1 : i32
      %mul3A_17 = arith.muli %scan3A_15, %mul3A_16 : i32
      %add3A_18 = arith.constant 0 : i32
      %add3A_19 = arith.addi %add3A_18, %mul3A_17 : i32
      %jit3A = arith.constant 4 : i32
      %div3A = arith.divsi %add3A_19, %jit3A : i32
      %sign3A = arith.constant 0 : i32
      %sign3A_20 = arith.cmpi sgt, %add3A_19, %sign3A : i32
      %sign3A_21 = arith.extui %sign3A_20 : i1 to i32
      %sign3A_22 = arith.constant 0 : i32
      %sign3A_23 = arith.cmpi slt, %add3A_19, %sign3A_22 : i32
      %sign3A_24 = arith.extui %sign3A_23 : i1 to i32
      %sign3A_25 = arith.subi %sign3A_21, %sign3A_24 : i32
      %sign3A_26 = arith.constant 0 : i32
      %sign3A_27 = arith.cmpi sgt, %jit3A, %sign3A_26 : i32
      %sign3A_28 = arith.extui %sign3A_27 : i1 to i32
      %sign3A_29 = arith.constant 0 : i32
      %sign3A_30 = arith.cmpi slt, %jit3A, %sign3A_29 : i32
      %sign3A_31 = arith.extui %sign3A_30 : i1 to i32
      %sign3A_32 = arith.subi %sign3A_28, %sign3A_31 : i32
      %ne3A = arith.cmpi ne, %sign3A_25, %sign3A_32 : i32
      %rem3A = arith.remsi %add3A_19, %jit3A : i32
      %ne3A_33 = arith.constant 0 : i32
      %ne3A_34 = arith.cmpi ne, %rem3A, %ne3A_33 : i32
      %and3A = arith.andi %ne3A, %ne3A_34 : i1
      %sub3A = arith.constant 1 : i32
      %sub3A_35 = arith.subi %div3A, %sub3A : i32
      %select_n3A = arith.select %and3A, %sub3A_35, %div3A : i32
      %jit3A_36 = arith.constant 4 : i32
      %eq3A = arith.constant 0 : i32
      %eq3A_37 = arith.cmpi eq, %jit3A_36, %eq3A : i32
      %jit3A_38 = arith.constant 1 : i32
      %select_n3A_39 = arith.select %eq3A_37, %jit3A_38, %jit3A_36 : i32
      %rem3A_40 = arith.remsi %add3A_19, %select_n3A_39 : i32
      %ne3A_41 = arith.constant 0 : i32
      %ne3A_42 = arith.cmpi ne, %rem3A_40, %ne3A_41 : i32
      %lt3A = arith.constant 0 : i32
      %lt3A_43 = arith.cmpi slt, %rem3A_40, %lt3A : i32
      %lt3A_44 = arith.constant 0 : i32
      %lt3A_45 = arith.cmpi slt, %select_n3A_39, %lt3A_44 : i32
      %ne3A_46 = arith.xori %lt3A_43, %lt3A_45 : i1
      %and3A_47 = arith.andi %ne3A_46, %ne3A_42 : i1
      %add3A_48 = arith.addi %rem3A_40, %select_n3A_39 : i32
      %select_n3A_49 = arith.select %and3A_47, %add3A_48, %rem3A_40 : i32
      %mul3A_50 = arith.constant 128 : i32
      %mul3A_51 = arith.muli %select_n3A_49, %mul3A_50 : i32
      %mul3A_52 = arith.constant 100000 : i32
      %mul3A_53 = arith.muli %select_n3A, %mul3A_52 : i32
      %add3A_54 = arith.constant 0 : i32
      %add3A_55 = arith.addi %mul3A_51, %add3A_54 : i32
      %get3A = arith.index_cast %select_n3A : i32 to index
      %get3A_56 = arith.index_cast %add3A_55 : i32 to index
      %get3A_57 = tpu.vector_load %arg5[%get3A, %get3A_56] {strides = array<i32>} : memref<26x512xi32, #tpu.memory_space<vmem>>, vector<16xi32>,
      %add3A_58 = vector.broadcast %mul3A_53 : i32 to vector<16xi32>
      %add3A_59 = arith.addi %get3A_57, %add3A_58 : vector<16xi32>
      %swap3A = arith.index_cast %add3A_19 : i32 to index
      %swap3A_60 = arith.constant 0 : index
      %swap3A_61 = tpu.vector_load %arg6[%swap3A, %swap3A_60] {strides = array<i32>} : memref<104x128xi32, #tpu.memory_space<vmem>>, vector<16xi32>,
      tpu.vector_store %arg6[%swap3A, %swap3A_60], %add3A_59 {strides = array<i32>} : memref<104x128xi32, #tpu.memory_space<vmem>>, vector<16xi32>,
      %add3A_62 = arith.constant 16 : i32
      %add3A_63 = arith.addi %mul3A_51, %add3A_62 : i32
      %get3A_64 = arith.index_cast %select_n3A : i32 to index
      %get3A_65 = arith.index_cast %add3A_63 : i32 to index
      %get3A_66 = tpu.vector_load %arg5[%get3A_64, %get3A_65] {strides = array<i32>} : memref<26x512xi32, #tpu.memory_space<vmem>>, vector<16xi32>,
      %add3A_67 = vector.broadcast %mul3A_53 : i32 to vector<16xi32>
      %add3A_68 = arith.addi %get3A_66, %add3A_67 : vector<16xi32>
      %swap3A_69 = arith.index_cast %add3A_19 : i32 to index
      %swap3A_70 = arith.constant 16 : index
      %swap3A_71 = tpu.vector_load %arg6[%swap3A_69, %swap3A_70] {strides = array<i32>} : memref<104x128xi32, #tpu.memory_space<vmem>>, vector<16xi32>,
      tpu.vector_store %arg6[%swap3A_69, %swap3A_70], %add3A_68 {strides = array<i32>} : memref<104x128xi32, #tpu.memory_space<vmem>>, vector<16xi32>,
      %add3A_72 = arith.constant 32 : i32
      %add3A_73 = arith.addi %mul3A_51, %add3A_72 : i32
      %get3A_74 = arith.index_cast %select_n3A : i32 to index
      %get3A_75 = arith.index_cast %add3A_73 : i32 to index
      %get3A_76 = tpu.vector_load %arg5[%get3A_74, %get3A_75] {strides = array<i32>} : memref<26x512xi32, #tpu.memory_space<vmem>>, vector<16xi32>,
      %add3A_77 = vector.broadcast %mul3A_53 : i32 to vector<16xi32>
      %add3A_78 = arith.addi %get3A_76, %add3A_77 : vector<16xi32>
      %swap3A_79 = arith.index_cast %add3A_19 : i32 to index
      %swap3A_80 = arith.constant 32 : index
      %swap3A_81 = tpu.vector_load %arg6[%swap3A_79, %swap3A_80] {strides = array<i32>} : memref<104x128xi32, #tpu.memory_space<vmem>>, vector<16xi32>,
      tpu.vector_store %arg6[%swap3A_79, %swap3A_80], %add3A_78 {strides = array<i32>} : memref<104x128xi32, #tpu.memory_space<vmem>>, vector<16xi32>,
      %add3A_82 = arith.constant 48 : i32
      %add3A_83 = arith.addi %mul3A_51, %add3A_82 : i32
      %get3A_84 = arith.index_cast %select_n3A : i32 to index
      %get3A_85 = arith.index_cast %add3A_83 : i32 to index
      %get3A_86 = tpu.vector_load %arg5[%get3A_84, %get3A_85] {strides = array<i32>} : memref<26x512xi32, #tpu.memory_space<vmem>>, vector<16xi32>,
      %add3A_87 = vector.broadcast %mul3A_53 : i32 to vector<16xi32>
      %add3A_88 = arith.addi %get3A_86, %add3A_87 : vector<16xi32>
      %swap3A_89 = arith.index_cast %add3A_19 : i32 to index
      %swap3A_90 = arith.constant 48 : index
      %swap3A_91 = tpu.vector_load %arg6[%swap3A_89, %swap3A_90] {strides = array<i32>} : memref<104x128xi32, #tpu.memory_space<vmem>>, vector<16xi32>,
      tpu.vector_store %arg6[%swap3A_89, %swap3A_90], %add3A_88 {strides = array<i32>} : memref<104x128xi32, #tpu.memory_space<vmem>>, vector<16xi32>,
      %add3A_92 = arith.constant 64 : i32
      %add3A_93 = arith.addi %mul3A_51, %add3A_92 : i32
      %get3A_94 = arith.index_cast %select_n3A : i32 to index
      %get3A_95 = arith.index_cast %add3A_93 : i32 to index
      %get3A_96 = tpu.vector_load %arg5[%get3A_94, %get3A_95] {strides = array<i32>} : memref<26x512xi32, #tpu.memory_space<vmem>>, vector<16xi32>,
      %add3A_97 = vector.broadcast %mul3A_53 : i32 to vector<16xi32>
      %add3A_98 = arith.addi %get3A_96, %add3A_97 : vector<16xi32>
      %swap3A_99 = arith.index_cast %add3A_19 : i32 to index
      %swap3A_100 = arith.constant 64 : index
      %swap3A_101 = tpu.vector_load %arg6[%swap3A_99, %swap3A_100] {strides = array<i32>} : memref<104x128xi32, #tpu.memory_space<vmem>>, vector<16xi32>,
      tpu.vector_store %arg6[%swap3A_99, %swap3A_100], %add3A_98 {strides = array<i32>} : memref<104x128xi32, #tpu.memory_space<vmem>>, vector<16xi32>,
      %add3A_102 = arith.constant 80 : i32
      %add3A_103 = arith.addi %mul3A_51, %add3A_102 : i32
      %get3A_104 = arith.index_cast %select_n3A : i32 to index
      %get3A_105 = arith.index_cast %add3A_103 : i32 to index
      %get3A_106 = tpu.vector_load %arg5[%get3A_104, %get3A_105] {strides = array<i32>} : memref<26x512xi32, #tpu.memory_space<vmem>>, vector<16xi32>,
      %add3A_107 = vector.broadcast %mul3A_53 : i32 to vector<16xi32>
      %add3A_108 = arith.addi %get3A_106, %add3A_107 : vector<16xi32>
      %swap3A_109 = arith.index_cast %add3A_19 : i32 to index
      %swap3A_110 = arith.constant 80 : index
      %swap3A_111 = tpu.vector_load %arg6[%swap3A_109, %swap3A_110] {strides = array<i32>} : memref<104x128xi32, #tpu.memory_space<vmem>>, vector<16xi32>,
      tpu.vector_store %arg6[%swap3A_109, %swap3A_110], %add3A_108 {strides = array<i32>} : memref<104x128xi32, #tpu.memory_space<vmem>>, vector<16xi32>,
      %add3A_112 = arith.constant 96 : i32
      %add3A_113 = arith.addi %mul3A_51, %add3A_112 : i32
      %get3A_114 = arith.index_cast %select_n3A : i32 to index
      %get3A_115 = arith.index_cast %add3A_113 : i32 to index
      %get3A_116 = tpu.vector_load %arg5[%get3A_114, %get3A_115] {strides = array<i32>} : memref<26x512xi32, #tpu.memory_space<vmem>>, vector<16xi32>,
      %add3A_117 = vector.broadcast %mul3A_53 : i32 to vector<16xi32>
      %add3A_118 = arith.addi %get3A_116, %add3A_117 : vector<16xi32>
      %swap3A_119 = arith.index_cast %add3A_19 : i32 to index
      %swap3A_120 = arith.constant 96 : index
      %swap3A_121 = tpu.vector_load %arg6[%swap3A_119, %swap3A_120] {strides = array<i32>} : memref<104x128xi32, #tpu.memory_space<vmem>>, vector<16xi32>,
      tpu.vector_store %arg6[%swap3A_119, %swap3A_120], %add3A_118 {strides = array<i32>} : memref<104x128xi32, #tpu.memory_space<vmem>>, vector<16xi32>,
      %add3A_122 = arith.constant 112 : i32
      %add3A_123 = arith.addi %mul3A_51, %add3A_122 : i32
      %get3A_124 = arith.index_cast %select_n3A : i32 to index
      %get3A_125 = arith.index_cast %add3A_123 : i32 to index
      %get3A_126 = tpu.vector_load %arg5[%get3A_124, %get3A_125] {strides = array<i32>} : memref<26x512xi32, #tpu.memory_space<vmem>>, vector<16xi32>,
      %add3A_127 = vector.broadcast %mul3A_53 : i32 to vector<16xi32>
      %add3A_128 = arith.addi %get3A_126, %add3A_127 : vector<16xi32>
      %swap3A_129 = arith.index_cast %add3A_19 : i32 to index
      %swap3A_130 = arith.constant 112 : index
      %swap3A_131 = tpu.vector_load %arg6[%swap3A_129, %swap3A_130] {strides = array<i32>} : memref<104x128xi32, #tpu.memory_space<vmem>>, vector<16xi32>,
      tpu.vector_store %arg6[%swap3A_129, %swap3A_130], %add3A_128 {strides = array<i32>} : memref<104x128xi32, #tpu.memory_space<vmem>>, vector<16xi32>,
      %mul3A_132 = arith.constant 128 : i32
      %mul3A_133 = arith.muli %add3A_19, %mul3A_132 : i32
      %multiple_of3A = tpu.assume_multiple %mul3A_133, 128 : i32
      %dma_start3A = tpu.memref_slice %arg7[%multiple_of3A] : memref<13312xf32, #tpu.memory_space<vmem>> -> memref<128xf32, #tpu.memory_space<vmem>>
      %dma_start3A_134 = arith.constant 0 : i32
      %dma_start3A_135 = tpu.memref_slice %arg6[%add3A_19, %dma_start3A_134] : memref<104x128xi32, #tpu.memory_space<vmem>> -> memref<1x128xi32, #tpu.memory_space<vmem>>
      %dma_start3A_136 = tpu.memref_squeeze %dma_start3A_135 : memref<1x128xi32, #tpu.memory_space<vmem>> -> memref<128xi32, #tpu.memory_space<vmem>>
      %dma_start3A_137 = arith.constant 0 : i32
      %dma_start3A_138 = tpu.memref_slice %arg3[%dma_start3A_137] : memref<2600000xf32, #tpu.memory_space<hbm>> -> memref<2600000xf32, #tpu.memory_space<hbm>>
      tpu.enqueue_indirect_dma source(%dma_start3A_138 : memref<2600000xf32, #tpu.memory_space<hbm>>) target(%dma_start3A : memref<128xf32, #tpu.memory_space<vmem>>) offsets(%dma_start3A_136 : memref<128xi32, #tpu.memory_space<vmem>>) semaphore(%arg9 : memref<!tpu.dma_semaphore, #tpu.memory_space<semaphore_mem>>)
    }
    %scan3A_6 = arith.constant 104 : i32
    %dma_wait3A = arith.constant 0 : i32
    %dma_wait3A_7 = tpu.memref_slice %arg3[%dma_wait3A] : memref<2600000xf32, #tpu.memory_space<hbm>> -> memref<13312xf32, #tpu.memory_space<hbm>>
    %dma_wait3A_8 = arith.constant 0 : i32
    %dma_wait3A_9 = tpu.memref_slice %arg3[%dma_wait3A_8] : memref<2600000xf32, #tpu.memory_space<hbm>> -> memref<13312xf32, #tpu.memory_space<hbm>>
    tpu.wait_dma2 semaphore(%arg9 : memref<!tpu.dma_semaphore, #tpu.memory_space<semaphore_mem>>) src(%dma_wait3A_9 : memref<13312xf32, #tpu.memory_space<hbm>>) dst(%arg7 : memref<13312xf32, #tpu.memory_space<vmem>>)
    %scan3A_10 = arith.constant 0 : i32
    %scan3A_11 = arith.constant 32 : i32
    %scan3A_12 = arith.addi %scan3A_10, %scan3A_11 : i32
    %scan3A_13 = arith.constant 1 : i32
    scf.for %scan3A_15 = %scan3A_10 to %scan3A_12 step %scan3A_13  : i32 {
      %mul3A_16 = arith.constant 1 : i32
      %mul3A_17 = arith.muli %scan3A_15, %mul3A_16 : i32
      %add3A_18 = arith.constant 0 : i32
      %add3A_19 = arith.addi %add3A_18, %mul3A_17 : i32
      %jit3A = arith.constant 8 : i32
      %div3A = arith.divsi %add3A_19, %jit3A : i32
      %sign3A = arith.constant 0 : i32
      %sign3A_20 = arith.cmpi sgt, %add3A_19, %sign3A : i32
      %sign3A_21 = arith.extui %sign3A_20 : i1 to i32
      %sign3A_22 = arith.constant 0 : i32
      %sign3A_23 = arith.cmpi slt, %add3A_19, %sign3A_22 : i32
      %sign3A_24 = arith.extui %sign3A_23 : i1 to i32
      %sign3A_25 = arith.subi %sign3A_21, %sign3A_24 : i32
      %sign3A_26 = arith.constant 0 : i32
      %sign3A_27 = arith.cmpi sgt, %jit3A, %sign3A_26 : i32
      %sign3A_28 = arith.extui %sign3A_27 : i1 to i32
      %sign3A_29 = arith.constant 0 : i32
      %sign3A_30 = arith.cmpi slt, %jit3A, %sign3A_29 : i32
      %sign3A_31 = arith.extui %sign3A_30 : i1 to i32
      %sign3A_32 = arith.subi %sign3A_28, %sign3A_31 : i32
      %ne3A = arith.cmpi ne, %sign3A_25, %sign3A_32 : i32
      %rem3A = arith.remsi %add3A_19, %jit3A : i32
      %ne3A_33 = arith.constant 0 : i32
      %ne3A_34 = arith.cmpi ne, %rem3A, %ne3A_33 : i32
      %and3A = arith.andi %ne3A, %ne3A_34 : i1
      %sub3A = arith.constant 1 : i32
      %sub3A_35 = arith.subi %div3A, %sub3A : i32
      %select_n3A = arith.select %and3A, %sub3A_35, %div3A : i32
      %mul3A_36 = arith.constant 128 : i32
      %mul3A_37 = arith.muli %select_n3A, %mul3A_36 : i32
      %jit3A_38 = arith.constant 8 : i32
      %eq3A = arith.constant 0 : i32
      %eq3A_39 = arith.cmpi eq, %jit3A_38, %eq3A : i32
      %jit3A_40 = arith.constant 1 : i32
      %select_n3A_41 = arith.select %eq3A_39, %jit3A_40, %jit3A_38 : i32
      %rem3A_42 = arith.remsi %add3A_19, %select_n3A_41 : i32
      %ne3A_43 = arith.constant 0 : i32
      %ne3A_44 = arith.cmpi ne, %rem3A_42, %ne3A_43 : i32
      %lt3A = arith.constant 0 : i32
      %lt3A_45 = arith.cmpi slt, %rem3A_42, %lt3A : i32
      %lt3A_46 = arith.constant 0 : i32
      %lt3A_47 = arith.cmpi slt, %select_n3A_41, %lt3A_46 : i32
      %ne3A_48 = arith.xori %lt3A_45, %lt3A_47 : i1
      %and3A_49 = arith.andi %ne3A_48, %ne3A_44 : i1
      %add3A_50 = arith.addi %rem3A_42, %select_n3A_41 : i32
      %select_n3A_51 = arith.select %and3A_49, %add3A_50, %rem3A_42 : i32
      %mul3A_52 = arith.constant 16 : i32
      %mul3A_53 = arith.muli %select_n3A_51, %mul3A_52 : i32
      %add3A_54 = arith.addi %mul3A_37, %mul3A_53 : i32
      %broadcast_in_dim3A = arith.constant 0.000000e+00 : f32
      %broadcast_in_dim3A_55 = vector.broadcast %broadcast_in_dim3A : f32 to vector<16xf32>
      %add3A_56 = arith.constant 0 : i32
      %add3A_57 = arith.addi %add3A_54, %add3A_56 : i32
      %get3A = arith.index_cast %add3A_57 : i32 to index
      %get3A_58 = tpu.vector_load %arg7[%get3A] {strides = array<i32>} : memref<13312xf32, #tpu.memory_space<vmem>>, vector<16xf32>,
      %add3A_59 = arith.addf %broadcast_in_dim3A_55, %get3A_58 : vector<16xf32>
      %add3A_60 = arith.constant 512 : i32
      %add3A_61 = arith.addi %add3A_54, %add3A_60 : i32
      %get3A_62 = arith.index_cast %add3A_61 : i32 to index
      %get3A_63 = tpu.vector_load %arg7[%get3A_62] {strides = array<i32>} : memref<13312xf32, #tpu.memory_space<vmem>>, vector<16xf32>,
      %add3A_64 = arith.addf %add3A_59, %get3A_63 : vector<16xf32>
      %add3A_65 = arith.constant 1024 : i32
      %add3A_66 = arith.addi %add3A_54, %add3A_65 : i32
      %get3A_67 = arith.index_cast %add3A_66 : i32 to index
      %get3A_68 = tpu.vector_load %arg7[%get3A_67] {strides = array<i32>} : memref<13312xf32, #tpu.memory_space<vmem>>, vector<16xf32>,
      %add3A_69 = arith.addf %add3A_64, %get3A_68 : vector<16xf32>
      %add3A_70 = arith.constant 1536 : i32
      %add3A_71 = arith.addi %add3A_54, %add3A_70 : i32
      %get3A_72 = arith.index_cast %add3A_71 : i32 to index
      %get3A_73 = tpu.vector_load %arg7[%get3A_72] {strides = array<i32>} : memref<13312xf32, #tpu.memory_space<vmem>>, vector<16xf32>,
      %add3A_74 = arith.addf %add3A_69, %get3A_73 : vector<16xf32>
      %add3A_75 = arith.constant 2048 : i32
      %add3A_76 = arith.addi %add3A_54, %add3A_75 : i32
      %get3A_77 = arith.index_cast %add3A_76 : i32 to index
      %get3A_78 = tpu.vector_load %arg7[%get3A_77] {strides = array<i32>} : memref<13312xf32, #tpu.memory_space<vmem>>, vector<16xf32>,
      %add3A_79 = arith.addf %add3A_74, %get3A_78 : vector<16xf32>
      %add3A_80 = arith.constant 2560 : i32
      %add3A_81 = arith.addi %add3A_54, %add3A_80 : i32
      %get3A_82 = arith.index_cast %add3A_81 : i32 to index
      %get3A_83 = tpu.vector_load %arg7[%get3A_82] {strides = array<i32>} : memref<13312xf32, #tpu.memory_space<vmem>>, vector<16xf32>,
      %add3A_84 = arith.addf %add3A_79, %get3A_83 : vector<16xf32>
      %add3A_85 = arith.constant 3072 : i32
      %add3A_86 = arith.addi %add3A_54, %add3A_85 : i32
      %get3A_87 = arith.index_cast %add3A_86 : i32 to index
      %get3A_88 = tpu.vector_load %arg7[%get3A_87] {strides = array<i32>} : memref<13312xf32, #tpu.memory_space<vmem>>, vector<16xf32>,
      %add3A_89 = arith.addf %add3A_84, %get3A_88 : vector<16xf32>
      %add3A_90 = arith.constant 3584 : i32
      %add3A_91 = arith.addi %add3A_54, %add3A_90 : i32
      %get3A_92 = arith.index_cast %add3A_91 : i32 to index
      %get3A_93 = tpu.vector_load %arg7[%get3A_92] {strides = array<i32>} : memref<13312xf32, #tpu.memory_space<vmem>>, vector<16xf32>,
      %add3A_94 = arith.addf %add3A_89, %get3A_93 : vector<16xf32>
      %add3A_95 = arith.constant 4096 : i32
      %add3A_96 = arith.addi %add3A_54, %add3A_95 : i32
      %get3A_97 = arith.index_cast %add3A_96 : i32 to index
      %get3A_98 = tpu.vector_load %arg7[%get3A_97] {strides = array<i32>} : memref<13312xf32, #tpu.memory_space<vmem>>, vector<16xf32>,
      %add3A_99 = arith.addf %add3A_94, %get3A_98 : vector<16xf32>
      %add3A_100 = arith.constant 4608 : i32
      %add3A_101 = arith.addi %add3A_54, %add3A_100 : i32
      %get3A_102 = arith.index_cast %add3A_101 : i32 to index
      %get3A_103 = tpu.vector_load %arg7[%get3A_102] {strides = array<i32>} : memref<13312xf32, #tpu.memory_space<vmem>>, vector<16xf32>,
      %add3A_104 = arith.addf %add3A_99, %get3A_103 : vector<16xf32>
      %add3A_105 = arith.constant 5120 : i32
      %add3A_106 = arith.addi %add3A_54, %add3A_105 : i32
      %get3A_107 = arith.index_cast %add3A_106 : i32 to index
      %get3A_108 = tpu.vector_load %arg7[%get3A_107] {strides = array<i32>} : memref<13312xf32, #tpu.memory_space<vmem>>, vector<16xf32>,
      %add3A_109 = arith.addf %add3A_104, %get3A_108 : vector<16xf32>
      %add3A_110 = arith.constant 5632 : i32
      %add3A_111 = arith.addi %add3A_54, %add3A_110 : i32
      %get3A_112 = arith.index_cast %add3A_111 : i32 to index
      %get3A_113 = tpu.vector_load %arg7[%get3A_112] {strides = array<i32>} : memref<13312xf32, #tpu.memory_space<vmem>>, vector<16xf32>,
      %add3A_114 = arith.addf %add3A_109, %get3A_113 : vector<16xf32>
      %add3A_115 = arith.constant 6144 : i32
      %add3A_116 = arith.addi %add3A_54, %add3A_115 : i32
      %get3A_117 = arith.index_cast %add3A_116 : i32 to index
      %get3A_118 = tpu.vector_load %arg7[%get3A_117] {strides = array<i32>} : memref<13312xf32, #tpu.memory_space<vmem>>, vector<16xf32>,
      %add3A_119 = arith.addf %add3A_114, %get3A_118 : vector<16xf32>
      %add3A_120 = arith.constant 6656 : i32
      %add3A_121 = arith.addi %add3A_54, %add3A_120 : i32
      %get3A_122 = arith.index_cast %add3A_121 : i32 to index
      %get3A_123 = tpu.vector_load %arg7[%get3A_122] {strides = array<i32>} : memref<13312xf32, #tpu.memory_space<vmem>>, vector<16xf32>,
      %add3A_124 = arith.addf %add3A_119, %get3A_123 : vector<16xf32>
      %add3A_125 = arith.constant 7168 : i32
      %add3A_126 = arith.addi %add3A_54, %add3A_125 : i32
      %get3A_127 = arith.index_cast %add3A_126 : i32 to index
      %get3A_128 = tpu.vector_load %arg7[%get3A_127] {strides = array<i32>} : memref<13312xf32, #tpu.memory_space<vmem>>, vector<16xf32>,
      %add3A_129 = arith.addf %add3A_124, %get3A_128 : vector<16xf32>
      %add3A_130 = arith.constant 7680 : i32
      %add3A_131 = arith.addi %add3A_54, %add3A_130 : i32
      %get3A_132 = arith.index_cast %add3A_131 : i32 to index
      %get3A_133 = tpu.vector_load %arg7[%get3A_132] {strides = array<i32>} : memref<13312xf32, #tpu.memory_space<vmem>>, vector<16xf32>,
      %add3A_134 = arith.addf %add3A_129, %get3A_133 : vector<16xf32>
      %add3A_135 = arith.constant 8192 : i32
      %add3A_136 = arith.addi %add3A_54, %add3A_135 : i32
      %get3A_137 = arith.index_cast %add3A_136 : i32 to index
      %get3A_138 = tpu.vector_load %arg7[%get3A_137] {strides = array<i32>} : memref<13312xf32, #tpu.memory_space<vmem>>, vector<16xf32>,
      %add3A_139 = arith.addf %add3A_134, %get3A_138 : vector<16xf32>
      %add3A_140 = arith.constant 8704 : i32
      %add3A_141 = arith.addi %add3A_54, %add3A_140 : i32
      %get3A_142 = arith.index_cast %add3A_141 : i32 to index
      %get3A_143 = tpu.vector_load %arg7[%get3A_142] {strides = array<i32>} : memref<13312xf32, #tpu.memory_space<vmem>>, vector<16xf32>,
      %add3A_144 = arith.addf %add3A_139, %get3A_143 : vector<16xf32>
      %add3A_145 = arith.constant 9216 : i32
      %add3A_146 = arith.addi %add3A_54, %add3A_145 : i32
      %get3A_147 = arith.index_cast %add3A_146 : i32 to index
      %get3A_148 = tpu.vector_load %arg7[%get3A_147] {strides = array<i32>} : memref<13312xf32, #tpu.memory_space<vmem>>, vector<16xf32>,
      %add3A_149 = arith.addf %add3A_144, %get3A_148 : vector<16xf32>
      %add3A_150 = arith.constant 9728 : i32
      %add3A_151 = arith.addi %add3A_54, %add3A_150 : i32
      %get3A_152 = arith.index_cast %add3A_151 : i32 to index
      %get3A_153 = tpu.vector_load %arg7[%get3A_152] {strides = array<i32>} : memref<13312xf32, #tpu.memory_space<vmem>>, vector<16xf32>,
      %add3A_154 = arith.addf %add3A_149, %get3A_153 : vector<16xf32>
      %add3A_155 = arith.constant 10240 : i32
      %add3A_156 = arith.addi %add3A_54, %add3A_155 : i32
      %get3A_157 = arith.index_cast %add3A_156 : i32 to index
      %get3A_158 = tpu.vector_load %arg7[%get3A_157] {strides = array<i32>} : memref<13312xf32, #tpu.memory_space<vmem>>, vector<16xf32>,
      %add3A_159 = arith.addf %add3A_154, %get3A_158 : vector<16xf32>
      %add3A_160 = arith.constant 10752 : i32
      %add3A_161 = arith.addi %add3A_54, %add3A_160 : i32
      %get3A_162 = arith.index_cast %add3A_161 : i32 to index
      %get3A_163 = tpu.vector_load %arg7[%get3A_162] {strides = array<i32>} : memref<13312xf32, #tpu.memory_space<vmem>>, vector<16xf32>,
      %add3A_164 = arith.addf %add3A_159, %get3A_163 : vector<16xf32>
      %add3A_165 = arith.constant 11264 : i32
      %add3A_166 = arith.addi %add3A_54, %add3A_165 : i32
      %get3A_167 = arith.index_cast %add3A_166 : i32 to index
      %get3A_168 = tpu.vector_load %arg7[%get3A_167] {strides = array<i32>} : memref<13312xf32, #tpu.memory_space<vmem>>, vector<16xf32>,
      %add3A_169 = arith.addf %add3A_164, %get3A_168 : vector<16xf32>
      %add3A_170 = arith.constant 11776 : i32
      %add3A_171 = arith.addi %add3A_54, %add3A_170 : i32
      %get3A_172 = arith.index_cast %add3A_171 : i32 to index
      %get3A_173 = tpu.vector_load %arg7[%get3A_172] {strides = array<i32>} : memref<13312xf32, #tpu.memory_space<vmem>>, vector<16xf32>,
      %add3A_174 = arith.addf %add3A_169, %get3A_173 : vector<16xf32>
      %add3A_175 = arith.constant 12288 : i32
      %add3A_176 = arith.addi %add3A_54, %add3A_175 : i32
      %get3A_177 = arith.index_cast %add3A_176 : i32 to index
      %get3A_178 = tpu.vector_load %arg7[%get3A_177] {strides = array<i32>} : memref<13312xf32, #tpu.memory_space<vmem>>, vector<16xf32>,
      %add3A_179 = arith.addf %add3A_174, %get3A_178 : vector<16xf32>
      %add3A_180 = arith.constant 12800 : i32
      %add3A_181 = arith.addi %add3A_54, %add3A_180 : i32
      %get3A_182 = arith.index_cast %add3A_181 : i32 to index
      %get3A_183 = tpu.vector_load %arg7[%get3A_182] {strides = array<i32>} : memref<13312xf32, #tpu.memory_space<vmem>>, vector<16xf32>,
      %add3A_184 = arith.addf %add3A_179, %get3A_183 : vector<16xf32>
      %mul3A_185 = arith.constant 16 : i32
      %mul3A_186 = arith.muli %add3A_19, %mul3A_185 : i32
      %multiple_of3A = tpu.assume_multiple %mul3A_186, 16 : i32
      %swap3A = arith.index_cast %multiple_of3A : i32 to index
      %swap3A_187 = tpu.vector_load %arg8[%swap3A] {strides = array<i32>} : memref<512xf32, #tpu.memory_space<vmem>>, vector<16xf32>,
      tpu.vector_store %arg8[%swap3A], %add3A_184 {strides = array<i32>} : memref<512xf32, #tpu.memory_space<vmem>>, vector<16xf32>,
    }
    %scan3A_14 = arith.constant 32 : i32
    "tpu.region"() ({
      %run_scoped3A = tpu.sem_alloc : memref<!tpu.dma_semaphore, #tpu.memory_space<semaphore_mem>>
      %dma_start3A = tpu.memref_slice %arg4[%mul3A_2] : memref<16384xf32, #tpu.memory_space<hbm>> -> memref<512xf32, #tpu.memory_space<hbm>>
      %dma_start3A_15 = tpu.memref_slice %arg4[%mul3A_2] : memref<16384xf32, #tpu.memory_space<hbm>> -> memref<512xf32, #tpu.memory_space<hbm>>
      tpu.enqueue_dma source(%arg8 : memref<512xf32, #tpu.memory_space<vmem>>) target(%dma_start3A_15 : memref<512xf32, #tpu.memory_space<hbm>>) target_semaphore(%run_scoped3A : memref<!tpu.dma_semaphore, #tpu.memory_space<semaphore_mem>>)
      %dma_wait3A_16 = tpu.memref_slice %arg4[%mul3A_2] : memref<16384xf32, #tpu.memory_space<hbm>> -> memref<512xf32, #tpu.memory_space<hbm>>
      %dma_wait3A_17 = tpu.memref_slice %arg4[%mul3A_2] : memref<16384xf32, #tpu.memory_space<hbm>> -> memref<512xf32, #tpu.memory_space<hbm>>
      tpu.wait_dma2 semaphore(%run_scoped3A : memref<!tpu.dma_semaphore, #tpu.memory_space<semaphore_mem>>) src(%arg8 : memref<512xf32, #tpu.memory_space<vmem>>) dst(%dma_wait3A_17 : memref<512xf32, #tpu.memory_space<hbm>>)
      tpu.yield
    }) : () -> ()
    return
  }
}

module attributes {stable_mosaic.version = 14 : i64} {
  func.func @_combine_body(%arg0: memref<128x128xf32, #tpu.memory_space<vmem>>, %arg1: memref<128x128xf32, #tpu.memory_space<vmem>>, %arg2: memref<1x1xf32, #tpu.memory_space<vmem>>, %arg3: memref<128x128xf32, #tpu.memory_space<vmem>>) attributes {dimension_semantics = [], scalar_prefetch = 0 : i64, scratch_operands = 0 : i64, tpu.core_type = #tpu.core_type<tc>} {
    %get3A = arith.constant 0 : index
    %get3A_0 = arith.constant 0 : index
    %get3A_1 = vector.load %arg0[%get3A, %get3A_0] : memref<128x128xf32, #tpu.memory_space<vmem>>, vector<128x128xf32>
    %get3A_2 = arith.constant 0 : index
    %get3A_3 = arith.constant 0 : index
    %get3A_4 = vector.load %arg1[%get3A_2, %get3A_3] : memref<128x128xf32, #tpu.memory_space<vmem>>, vector<128x128xf32>
    %add3A = arith.addf %get3A_1, %get3A_4 : vector<128x128xf32>
    %get3A_5 = arith.constant 0 : index
    %get3A_6 = arith.constant 0 : index
    %get3A_7 = vector.load %arg2[%get3A_5, %get3A_6] : memref<1x1xf32, #tpu.memory_space<vmem>>, vector<1x1xf32>
    %get3A_8 = vector.extract %get3A_7[0, 0] : f32 from vector<1x1xf32>
    %add3A_9 = vector.broadcast %get3A_8 : f32 to vector<128x128xf32>
    %add3A_10 = arith.addf %add3A, %add3A_9 : vector<128x128xf32>
    %swap3A = arith.constant 0 : index
    %swap3A_11 = arith.constant 0 : index
    %swap3A_12 = vector.load %arg3[%swap3A, %swap3A_11] : memref<128x128xf32, #tpu.memory_space<vmem>>, vector<128x128xf32>
    tpu.vector_store %arg3[%swap3A, %swap3A_11], %add3A_10 {strides = array<i32>} : memref<128x128xf32, #tpu.memory_space<vmem>>, vector<128x128xf32>,
    return
  }
}

module attributes {stable_mosaic.version = 14 : i64} {
  func.func @_fm_body(%arg0: i32, %arg1: memref<26x64x2048xf32, #tpu.memory_space<vmem>>, %arg2: memref<1x1x2048xf32, #tpu.memory_space<vmem>>) attributes {dimension_semantics = [#tpu.dimension_semantics<arbitrary>], iteration_bounds = array<i64: 8>, scalar_prefetch = 0 : i64, scratch_operands = 0 : i64, tpu.core_type = #tpu.core_type<tc>, window_params = [{transform_indices = @transform_0, window_bounds = array<i64: 26, 64, 2048>}, {transform_indices = @transform_1, window_bounds = array<i64: 1, 1, 2048>}]} {
    %get3A = arith.constant 0 : index
    %get3A_0 = arith.constant 0 : index
    %get3A_1 = arith.constant 0 : index
    %get3A_2 = vector.load %arg1[%get3A, %get3A_0, %get3A_1] : memref<26x64x2048xf32, #tpu.memory_space<vmem>>, vector<26x64x2048xf32>
    %reduce_sum3A = arith.constant dense<0.000000e+00> : vector<64x2048xf32>
    %reduce_sum3A_3 = vector.multi_reduction <add>, %get3A_2, %reduce_sum3A [0] : vector<26x64x2048xf32> to vector<64x2048xf32>
    %mul3A = arith.mulf %get3A_2, %get3A_2 : vector<26x64x2048xf32>
    %reduce_sum3A_4 = arith.constant dense<0.000000e+00> : vector<64x2048xf32>
    %reduce_sum3A_5 = vector.multi_reduction <add>, %mul3A, %reduce_sum3A_4 [0] : vector<26x64x2048xf32> to vector<64x2048xf32>
    %mul3A_6 = arith.mulf %reduce_sum3A_3, %reduce_sum3A_3 : vector<64x2048xf32>
    %sub3A = arith.subf %mul3A_6, %reduce_sum3A_5 : vector<64x2048xf32>
    %reduce_sum3A_7 = arith.constant dense<0.000000e+00> : vector<2048xf32>
    %reduce_sum3A_8 = vector.multi_reduction <add>, %sub3A, %reduce_sum3A_7 [0] : vector<64x2048xf32> to vector<2048xf32>
    %mul3A_9 = arith.constant 5.000000e-01 : f32
    %mul3A_10 = vector.broadcast %mul3A_9 : f32 to vector<2048xf32>
    %mul3A_11 = arith.mulf %mul3A_10, %reduce_sum3A_8 : vector<2048xf32>
    %swap3A = arith.constant 0 : index
    %swap3A_12 = arith.constant 0 : index
    %swap3A_13 = arith.constant 0 : index
    %swap3A_14 = vector.load %arg2[%swap3A, %swap3A_12, %swap3A_13] : memref<1x1x2048xf32, #tpu.memory_space<vmem>>, vector<1x1x2048xf32>
    %swap3A_15 = vector.shape_cast %swap3A_14 : vector<1x1x2048xf32> to vector<2048xf32>
    %swap3A_16 = vector.shape_cast %mul3A_11 : vector<2048xf32> to vector<1x1x2048xf32>
    tpu.vector_store %arg2[%swap3A, %swap3A_12, %swap3A_13], %swap3A_16 {strides = array<i32>} : memref<1x1x2048xf32, #tpu.memory_space<vmem>>, vector<1x1x2048xf32>,
    return
  }
  func.func @transform_0(%arg0: i32) -> (i32, i32, i32) {
    %c0_i32 = arith.constant 0 : i32
    %c0_i32_0 = arith.constant 0 : i32
    %c0_i32_1 = arith.constant 0 : i32
    return %c0_i32, %c0_i32_0, %arg0 : i32, i32, i32
  }
  func.func @transform_1(%arg0: i32) -> (i32, i32, i32) {
    %c0_i32 = arith.constant 0 : i32
    %c0_i32_0 = arith.constant 0 : i32
    %c0_i32_1 = arith.constant 0 : i32
    return %arg0, %c0_i32, %c0_i32_0 : i32, i32, i32
  }
}

</mosaic_0001>

<sc_bundles>
// kernel: kernel.5.cloned.1.call-start
scs
__scs_entry_jumppad:
0x0: {  	(pc) =	sbr.rel $0x88, $3  }
0x1: {  	(tag) =	ssettag $0x0;
	lr =	simm.s32 $0x1  }
0x2: {  	[smem:$0x3F9D] =	sst lr;
	_ =	strace $0xD0000000  }
0x3: {  	_ = 	snop  }
0x4: {  	_ = 	snop  }
0x5: {  	_ = 	snop  }
0x6: {  	_ = 	snop  }
0x7: {  	_ = 	snop  }
__scs_overlays_trampoline_lowered:
0x8: {  	[smem:$0x3FAC] =	sst s0  }
0x9: {  	[smem:$0x3FAD] =	sst s1  }
0xa: {  	[smem:$0x3FAE] =	sst s2  }
0xb: {  	[smem:$0x3FAF] =	sst s3  }
0xc: {  	[smem:$0x3FB0] =	sst s4  }
0xd: {  	[smem:$0x3FB1] =	sst s5  }
0xe: {  	[smem:$0x3FB2] =	sst s6  }
0xf: {  	[smem:$0x3FB3] =	sst s7  }
0x10: {  	[smem:$0x3FB4] =	sst s8  }
0x11: {  	[smem:$0x3FB5] =	sst s9;
	s0 =	simm.s32 @!p0 $0x0  }
0x12: {  	s1 =	sld [smem:$0x3F9B];
	s0 =	simm.s32 @p0 $0x1  }
0x13: {  	[smem:$0x3FB6] =	sst s0;
	s0 =	simm.s32 @!p1 $0x0  }
0x14: {  	s2 =	sld [smem:$0x3F9A];
	s0 =	simm.s32 @p1 $0x1  }
0x15: {  	[smem:$0x3FB7] =	sst s0;
	s0 =	simm.s32 @!p2 $0x0  }
0x16: {  	s3 =	sld [smem:$0x3FDB];
	s0 =	simm.s32 @p2 $0x1  }
0x17: {  	s4 =	simm.s32 $0x1BF5;
	[smem:$0x3FB9] =	sst s0  }
0x18: {  	s0 =	sld [smem:$0x3F9C];
	_ =	swait.ge [sflag:s4], $0x0  }
0x19: {  	s7 =	sld [smem:$0x3F9D]  }
0x1a: {  	s8 =	sadd.s32 $0xFFFFE003, lr  }
0x1b: {  	s9 =	sadd.s32 $0xFFFFFEF7, lr;
	s5 =	simm.s32 $0xFFFFFFFF;
	p2 =	slt.u32 s8, $0xFFFFF086  }
0x1c: {  	p1 =	slt.u32 s9, $0xF7A;
	s5 =	simm.s32 @!p2 $0x0  }
0x1d: {  	s5 =	simm.s32 @p1 $0x1;
	p0 =	seq.s32 s7, s2  }
0x1e: {  	s7 =	smul.u32 @!p0 $0xF7A, s2;
	p2 =	seq.s32 @!p0 s5, $0x0  }
0x1f: {  	s9 =	smul.u32 $0xF7A, s1;
	s8 =	simm.s32 @!p0 $0x1BF5;
	p2 =	por !p2, p0  }
0x20: {  	[sflag:s8] =	ssyncset.s32 @!p0 $0xFFFFF086;
	s6 =	sadd.s32 @!p0 s3, s7;
	s7 =	simm.s32 @!p0 $0x108  }
0x21: {  	s3 =	sadd.s32 s3, s9;
	s6 =	sadd.s32 @!p0 $0x88, s6;
	s7 =	simm.s32 @p2 $0x1082  }
0x22: {  	[simem:s7], [sflag:s8] =	dma.local @!p0 [hbm:s6], $0xF7A  }
0x23: {  	s9 =	sor.u32 $0xD0000000, s2;
	s6 =	simm.s32 $0x108;
	_ =	swait.ge @!p0 [sflag:s8], $0x0  }
0x24: {  	s3 =	sadd.s32 $0x88, s3;
	s6 =	simm.s32 @!p1 $0x1082;
	[sflag:s4] =	ssyncset.s32 $0xFFFFF086  }
0x25: {  	[simem:s6], [sflag:s4] =	dma.local [hbm:s3], $0xF7A  }
0x26: {  	[smem:$0x3F9D] =	sst s1;
	(tag) =	ssettag s2;
	_ =	strace s9  }
0x27: {  	s1 =	sld [smem:$0x3FAD]  }
0x28: {  	s2 =	sld [smem:$0x3FAE]  }
0x29: {  	s4 =	sld [smem:$0x3FB0]  }
0x2a: {  	p0 =	seq.s32 s5, $0x0;
	s5 =	sld [smem:$0x3FB1]  }
0x2b: {  	s6 =	sld [smem:$0x3FB2]  }
0x2c: {  	s7 =	sld [smem:$0x3FB3]  }
0x2d: {  	s3 =	simm.s32 $0x108;
	s8 =	sld [smem:$0x3FB4]  }
0x2e: {  	s3 =	simm.s32 @!p0 $0x1082;
	s9 =	sld [smem:$0x3FB5]  }
0x2f: {  	lr =	sadd.s32 s0, s3;
	s0 =	sld [smem:$0x3FAC]  }
0x30: {  	s3 =	sld [smem:$0x3FAF]  }
0x31: {  	[smem:$0x3FB8] =	sst s10  }
0x32: {  	s10 =	sld [smem:$0x3FB6];
	_ =	sdelay $0x3  }
0x33: {  	p0 =	seq.s32 s10, $0x1;
	s10 =	sld [smem:$0x3FB8];
	_ =	sdelay $0x3  }
0x34: {  	[smem:$0x3FB8] =	sst s10  }
0x35: {  	s10 =	sld [smem:$0x3FB7];
	_ =	sdelay $0x3  }
0x36: {  	p1 =	seq.s32 s10, $0x1;
	s10 =	sld [smem:$0x3FB8];
	_ =	sdelay $0x3  }
0x37: {  	[smem:$0x3FB8] =	sst s10  }
0x38: {  	s10 =	sld [smem:$0x3FB9]  }
0x39: {  	_ = 	snop;
	(pc) =	sbr.ind lr, $3  }
0x3a: {  	_ = 	snop  }
0x3b: {  	_ = 	snop  }
0x3c: {  	p2 =	seq.s32 s10, $0x1;
	s10 =	sld [smem:$0x3FB8]  }
0x3d: {  	_ =	shalt  }
0x3e: {  	_ =	shalt  }
0x3f: {  	_ =	shalt  }
0x40: {  	_ =	shalt  }
0x41: {  	_ =	shalt  }
0x42: {  	_ =	shalt  }
0x43: {  	_ =	shalt  }
0x44: {  	_ =	shalt  }
0x45: {  	_ =	shalt  }
0x46: {  	_ =	shalt  }
0x47: {  	_ =	shalt  }
0x48: {  	_ =	shalt  }
0x49: {  	_ =	shalt  }
0x4a: {  	_ =	shalt  }
0x4b: {  	_ =	shalt  }
0x4c: {  	_ =	shalt  }
0x4d: {  	_ =	shalt  }
0x4e: {  	_ =	shalt  }
0x4f: {  	_ =	shalt  }
0x50: {  	_ =	shalt  }
0x51: {  	_ =	shalt  }
0x52: {  	_ =	shalt  }
0x53: {  	_ =	shalt  }
0x54: {  	_ =	shalt  }
0x55: {  	_ =	shalt  }
0x56: {  	_ =	shalt  }
0x57: {  	_ =	shalt  }
0x58: {  	_ =	shalt  }
0x59: {  	_ =	shalt  }
0x5a: {  	_ =	shalt  }
0x5b: {  	_ =	shalt  }
0x5c: {  	_ =	shalt  }
0x5d: {  	_ =	shalt  }
0x5e: {  	_ =	shalt  }
0x5f: {  	_ =	shalt  }
0x60: {  	_ =	shalt  }
0x61: {  	_ =	shalt  }
0x62: {  	_ =	shalt  }
0x63: {  	_ =	shalt  }
0x64: {  	_ =	shalt  }
0x65: {  	_ =	shalt  }
0x66: {  	_ =	shalt  }
0x67: {  	_ =	shalt  }
0x68: {  	_ =	shalt  }
0x69: {  	_ =	shalt  }
0x6a: {  	_ =	shalt  }
0x6b: {  	_ =	shalt  }
0x6c: {  	_ =	shalt  }
0x6d: {  	_ =	shalt  }
0x6e: {  	_ =	shalt  }
0x6f: {  	_ =	shalt  }
0x70: {  	_ =	shalt  }
0x71: {  	_ =	shalt  }
0x72: {  	_ =	shalt  }
0x73: {  	_ =	shalt  }
0x74: {  	_ =	shalt  }
0x75: {  	_ =	shalt  }
0x76: {  	_ =	shalt  }
0x77: {  	_ =	shalt  }
0x78: {  	_ =	shalt  }
0x79: {  	_ =	shalt  }
0x7a: {  	_ =	shalt  }
0x7b: {  	_ =	shalt  }
0x7c: {  	_ =	shalt  }
0x7d: {  	_ =	shalt  }
0x7e: {  	_ =	shalt  }
0x7f: {  	_ =	shalt  }
0x80: {  	_ =	shalt  }
0x81: {  	_ =	shalt  }
0x82: {  	_ =	shalt  }
0x83: {  	_ =	shalt  }
0x84: {  	_ =	shalt  }
0x85: {  	_ =	shalt  }
0x86: {  	_ =	shalt  }
0x87: {  	_ =	shalt  }
.Lfunc_end0:
.L_simem_size_0:
called_computation_lowered:
.L_overlay_start_0:
0x88: {  	s2 =	sld [smem:$0x3FD9]  }
0x89: {  	s3 =	sld [smem:$0x3FFE];
	_ =	sdelay $0x1  }
0x8a: {  	s1 =	srdreg.scid  }
0x8b: {  	s0 =	sand.u32 $0x1, s1  }
0x8c: {  	s17 =	sshll.u32 s0, $0xA;
	s2 =	sadd.s32 s3, s2  }
0x8d: {  	s2 =	sadd.s32 s2, s17  }
0x8e: {  	[smem:$0x3FC4] =	sst s2  }
0x8f: {  	_ = 	snop  }
0x90: {  	s2 =	sld [smem:$0x3FC9]  }
0x91: {  	s18 =	sld [smem:$0x3FC7];
	(tm) =	ssettm $0x1  }
0x92: {  	s4 =	sld [smem:$0x3FFB];
	_ =	sdelay $0x3  }
0x93: {  	_ =	strace s4  }
0x94: {  	s4 =	sld [smem:$0x3FFC];
	_ =	sdelay $0x3  }
0x95: {  	_ =	strace s4  }
0x96: {  	s4 =	sld [smem:$0x3FFD];
	_ =	sdelay $0x3  }
0x97: {  	_ =	strace s4  }
0x98: {  	_ =	strace $0x8FFFFFFF  }
0x99: {  	s19 =	sld [smem:$0x3FDB];
	_ =	sdelay $0x1  }
0x9a: {  	s5 =	simm.s32 $_scs_section_size  }
0x9b: {  	s6 =	simm.s32 $_size__tile_overlayer_lowered;
	s7 =	simm.s32 $_tile_overlayer_lowered  }
0x9c: {  	s22 =	simm.s32 $0x1BFF;
	s21 =	sshll.u32 s7, $0x1;
	s4 =	sadd.s32 s5, s19  }
0x9d: {  	s8 =	simm.s32 $0x0;
	s20 =	sshll.u32 s6, $0x1;
	s6 =	sadd.s32 s21, s4  }
0x9e: {  	[timem:s8], [sflag:s22] =	dma.local [hbm:s6], s20  }
0x9f: {  	_ =	swait.ge [sflag:s22], s20  }
0xa0: {  	s5 =	ssub.s32 $0x0, s20;
	[sflag:s22] =	ssyncset.done $0x0  }
0xa1: {  	[sflag:s22] =	ssyncadd.s32 s5;
	_ =	sdelay $0x1  }
0xa2: {  	s23 =	simm.s32 $0x1B8B  }
0xa3: {  	_ =	swait.ge [sflag:s23], $0x1  }
0xa4: {  	[sflag:s23] =	ssyncset.done $0x0  }
0xa5: {  	s25 =	simm.s32 $0x1B8E;
	s24 =	sld [smem:$0x3FFE];
	[sflag:s23] =	ssyncadd.s32 $0xFFFFFFFF  }
0xa6: {  	s26 =	simm.s32 $execute0_lowered;
	[smem:$0x3FD2] =	sst s25  }
0xa7: {  	s6 =	sshll.u32 s26, $0x1;
	_ =	strace $0x80000046;
	[dreg:$0x1] =	wrdreg $0xFFFFFFFF  }
0xa8: {  	s28 =	simm.s32 $_size_execute0_lowered;
	s4 =	sadd.s32 s4, s6;
	[dreg:$0x0] =	wrdreg $0x0  }
0xa9: {  	s6 =	sshll.u32 s28, $0x1;
	[dreg:$0x2] =	wrdreg s4  }
0xaa: {  	[dreg:$0x3] =	wrdreg s6  }
0xab: {  	[dreg:$0x4] =	wrdreg $0xC0  }
0xac: {  	_ =	task [dreg:s8], $0x5FFFF  }
0xad: {  	[dreg:$0x1] =	wrdreg $0xFFFFFFFF  }
0xae: {  	[dreg:$0x0] =	wrdreg $0x60  }
0xaf: {  	[dreg:$0x2] =	wrdreg s2  }
0xb0: {  	[dreg:$0x3] =	wrdreg s18  }
0xb1: {  	[dreg:$0x4] =	wrdreg s24  }
0xb2: {  	[dreg:$0x5] =	wrdreg $0x9  }
0xb3: {  	_ =	task.clear_ibuf [dreg:s8], $0x6FFFF;
	_ =	strace $0x90000046  }
0xb4: {  	s29 =	simm.s32 $0x9;
	_ =	strace $0x80000048  }
0xb5: {  	_ =	swait.ge [sflag:s29], $0x1  }
0xb6: {  	[sflag:s29] =	ssyncadd.s32 $0xFFFFFFFF  }
0xb7: {  	_ =	strace $0x90000048  }
0xb8: {  	_ =	sfence  }
0xb9: {  	s30 =	sld [smem:$0x0];
	_ =	sdelay $0x2  }
0xba: {  	s31 =	sshll.u32 s1, $0xD;
	s1 =	sshrl.u32 s1, $0x2  }
0xbb: {  	s3 =	sand.u32 $0x4000, s31;
	s1 =	sadd.s32 s1, s30  }
0xbc: {  	s0 =	sor.u32 s3, s0;
	s1 =	sshll.u32 s1, $0x11  }
0xbd: {  	s0 =	sor.u32 s1, s0  }
0xbe: {  	s0 =	sadd.s32 $0x8F2B, s0  }
0xbf: {  	[sflag:s0] =	ssyncadd.remote.s32 $0x1  }
0xc0: {  	_ =	sfence.sel $0xFFFF  }
0xc1: {  	[dreg:$0x0] =	wrdreg $0xFFFFFFFF;
	(pc) =	sbr.abs _section_cstart, $3  }
0xc2: {  	[dreg:$0x1] =	wrdreg $0xFFFFFFFF  }
0xc3: {  	_ =	task.clear_ibuf [dreg:s8], $0x2FFFF;
	_ =	strace $0x9FFFFFFF  }
0xc4: {  	(tm) =	ssettm $0x7FFFFFFF  }
0xc5: {  	_ =	shalt  }
tec
execute0_lowered:
.L_overlay_start_1:
0x0: {  	(tag) =	ssettag $0x1  }
0x1: {  	s4 =	rddreg [dreg:$0x0]  }
0x2: {  	s2 =	rddreg [dreg:$0x1]  }
0x3: {  	s5 =	rddreg [dreg:$0x2];
	s3 =	srdreg.scid  }
0x4: {  	s0 =	rddreg [dreg:$0x3];
	s1 =	stileid.u32;
	s10 =	simm.s32 $0x80  }
0x5: {  	s11 =	simm.s32 $0x1;
	s12 =	simm.s32 $0xA800;
	s13 =	simm.s32 $0x0  }
0x6: {  	s6 =	sand.u32 $0x1, s3;
	s3 =	simm.s32 $0x0;
	s7 =	sshll.u32 s1, $0xA  }
0x7: {  	s8 =	sshll.u32 s6, $0x9;
	[smem:$0x7FF] =	sst s3;
	s6 =	ssub.s32 $0x2, s6  }
0x8: {  	s7 =	sor.u32 s8, s7;
	_ =	strace $0x80000047;
	s9 =	sshrl.u32 s6, $0x1  }
0x9: {  	s8 =	sshrl.u32 s7, $0x3;
	s6 =	ssub.s32 s6, s9;
	s4 =	sadd.s32 s4, s7  }
0xa: {  	s7 =	simm.s32 $0x1000;
	s9 =	simm.s32 $0x2;
	s5 =	sadd.s32 s8, s5  }
0xb: {  	s6 =	smax.u32 s6, $0x1;
	s8 =	simm.s32 $0x20000;
	s5 =	sadd.s32 $0x800, s5  }
.LBB2_1:
0xc: {  	[tilespmem:s3], [sflag:$0x2] =	stream.strided.gather [hbm4b:s4+s7], $0x4000, s8, s7, $0x38;
	[tilespmem:$0xAA00] =	vst v63  }
0xd: {  	s14 =	simm.s32 $0x0;
	s15 =	sand.u32 $0x3000, s3;
	s16 =	simm.s32 $0x0  }
0xe: {  	_ =	swait.ge [sflag:s9], $0x4000;
	s14 =	sand.u32 $0x3000, s14;
	s15 =	sshrl.u32 s15, $0x2  }
0xf: {  	s16 =	sand.u32 $0x380, s16;
	[sflag:s9] =	ssyncset.done $0x0;
	s14 =	sor.u32 s15, s14  }
0x10: {  	[sflag:s9] =	ssyncadd.s32 $0xFFFFC000;
	s14 =	sor.u32 s16, s14  }
0x11: {  	v0 =	vld [tilespmem:s14+$0x0];
	_ =	sdelay $0x1  }
0x12: {  	s30 =	simm.s32 $0x0  }
0x13: {  	s31 =	smul.u32 $0x186A0, s30;
	_ =	sdelay $0x1  }
0x14: {  	s15 =	simm.s32 $0x4000;
	v0 =	vadd.s32 s31, v0  }
0x15: {  	[tilespmem:s15+$0x0] =	vst v0  }
0x16: {  	v0 =	vld [tilespmem:s14+$0x10];
	_ =	sdelay $0x4  }
0x17: {  	v0 =	vadd.s32 s31, v0  }
0x18: {  	[tilespmem:s15+$0x10] =	vst v0  }
0x19: {  	v0 =	vld [tilespmem:s14+$0x20];
	_ =	sdelay $0x4  }
0x1a: {  	v0 =	vadd.s32 s31, v0  }
0x1b: {  	[tilespmem:s15+$0x20] =	vst v0  }
0x1c: {  	v0 =	vld [tilespmem:s14+$0x30];
	_ =	sdelay $0x4  }
0x1d: {  	v0 =	vadd.s32 s31, v0  }
0x1e: {  	[tilespmem:s15+$0x30] =	vst v0  }
0x1f: {  	v0 =	vld [tilespmem:s14+$0x40];
	_ =	sdelay $0x4  }
0x20: {  	v0 =	vadd.s32 s31, v0  }
0x21: {  	[tilespmem:s15+$0x40] =	vst v0  }
0x22: {  	v0 =	vld [tilespmem:s14+$0x50];
	_ =	sdelay $0x4  }
0x23: {  	v0 =	vadd.s32 s31, v0  }
0x24: {  	[tilespmem:s15+$0x50] =	vst v0  }
0x25: {  	v0 =	vld [tilespmem:s14+$0x60];
	_ =	sdelay $0x4  }
0x26: {  	v0 =	vadd.s32 s31, v0  }
0x27: {  	[tilespmem:s15+$0x60] =	vst v0  }
0x28: {  	v0 =	vld [tilespmem:s14+$0x70]  }
0x29: {  	s18 =	simm.s32 $0x1000  }
0x2a: {  	s17 =	simm.s32 $0x1;
	s19 =	simm.s32 $0x80;
	s20 =	sand.u32 $0x3000, s18  }
0x2b: {  	s21 =	simm.s32 $0x20;
	s19 =	sand.u32 $0x3000, s19;
	s20 =	sshrl.u32 s20, $0x2  }
0x2c: {  	s22 =	simm.s32 $0x2;
	s21 =	sand.u32 $0x380, s21;
	s23 =	sor.u32 s20, s19  }
0x2d: {  	s16 =	simm.s32 $0x4080;
	s19 =	simm.s32 $0x7400;
	s14 =	simm.s32 $0x7400;
	v0 =	vadd.s32 s31, v0  }
.LBB2_2:
0x2e: {  	s21 =	sor.u32 s21, s23  }
0x2f: {  	[tilespmem:s15+$0x70] =	vst v0;
	s14 =	sadd.s32 $0x80, s14;
	s23 =	smov.u32 s22;
	s20 =	sadd.s32 $0x1, s22  }
0x30: {  	[tilespmem:s19], [sflag:$0x1] =	stream.indirect.gather [hbm4b:s2+s10], $0x1, s15, s10, $0xb8;
	[tilespmem:$0xAA00] =	vst v63  }
0x31: {  	p0 =	sne.s32 s22, $0x67;
	s19 =	smov.u32 s14;
	s15 =	smov.u32 s16;
	v0 =	vld [tilespmem:s21+$0x0]  }
0x32: {  	_ = 	snop  }
0x33: {  	s22 =	sshrl.u32 s17, $0x2;
	s17 =	smov.u32 s23  }
0x34: {  	s22 =	smul.u32 $0x186A0, s22;
	_ =	sdelay $0x1  }
0x35: {  	v0 =	vadd.s32 s22, v0  }
0x36: {  	[tilespmem:s16+$0x0] =	vst v0  }
0x37: {  	v0 =	vld [tilespmem:s21+$0x10];
	_ =	sdelay $0x4  }
0x38: {  	v0 =	vadd.s32 s22, v0  }
0x39: {  	[tilespmem:s16+$0x10] =	vst v0  }
0x3a: {  	v0 =	vld [tilespmem:s21+$0x20];
	_ =	sdelay $0x4  }
0x3b: {  	v0 =	vadd.s32 s22, v0  }
0x3c: {  	[tilespmem:s16+$0x20] =	vst v0  }
0x3d: {  	v0 =	vld [tilespmem:s21+$0x30];
	_ =	sdelay $0x4  }
0x3e: {  	v0 =	vadd.s32 s22, v0  }
0x3f: {  	[tilespmem:s16+$0x30] =	vst v0  }
0x40: {  	v0 =	vld [tilespmem:s21+$0x40];
	_ =	sdelay $0x4  }
0x41: {  	v0 =	vadd.s32 s22, v0  }
0x42: {  	[tilespmem:s16+$0x40] =	vst v0  }
0x43: {  	v0 =	vld [tilespmem:s21+$0x50];
	_ =	sdelay $0x4  }
0x44: {  	v0 =	vadd.s32 s22, v0  }
0x45: {  	[tilespmem:s16+$0x50] =	vst v0  }
0x46: {  	v0 =	vld [tilespmem:s21+$0x60];
	_ =	sdelay $0x4  }
0x47: {  	v0 =	vadd.s32 s22, v0  }
0x48: {  	[tilespmem:s16+$0x60] =	vst v0  }
0x49: {  	v0 =	vld [tilespmem:s21+$0x70]  }
.Ltmp0:
0x4a: {  	s18 =	sadd.s32 $0x1000, s18;
	(pc) =	sbr.rel @p0 .LBB2_2-.Ltmp0, $4  }
0x4b: {  	s23 =	sand.u32 $0x3000, s18  }
0x4c: {  	s23 =	sshrl.u32 s23, $0x2;
	s21 =	sshll.u32 s17, $0x7  }
0x4d: {  	s16 =	sadd.s32 $0x80, s16;
	s24 =	sand.u32 $0x3000, s21;
	s21 =	sshll.u32 s17, $0x5  }
0x4e: {  	s21 =	sand.u32 $0x380, s21;
	s23 =	sor.u32 s23, s24;
	v0 =	vadd.s32 s22, v0;
	s22 =	smov.u32 s20  }
0x4f: {  	s18 =	sor.u32 s21, s23;
	[tilespmem:s15+$0x70] =	vst v0  }
0x50: {  	[tilespmem:s19], [sflag:$0x1] =	stream.indirect.gather [hbm4b:s2+s10], $0x1, s15, s10, $0xb8;
	[tilespmem:$0xAA00] =	vst v63  }
0x51: {  	v0 =	vld [tilespmem:s18+$0x0];
	_ =	sdelay $0x1  }
0x52: {  	s29 =	sshrl.u32 s17, $0x2  }
0x53: {  	s15 =	smul.u32 $0x186A0, s29;
	_ =	sdelay $0x1  }
0x54: {  	v0 =	vadd.s32 s15, v0  }
0x55: {  	[tilespmem:s16+$0x0] =	vst v0  }
0x56: {  	v0 =	vld [tilespmem:s18+$0x10];
	_ =	sdelay $0x4  }
0x57: {  	v0 =	vadd.s32 s15, v0  }
0x58: {  	[tilespmem:s16+$0x10] =	vst v0  }
0x59: {  	v0 =	vld [tilespmem:s18+$0x20];
	_ =	sdelay $0x4  }
0x5a: {  	v0 =	vadd.s32 s15, v0  }
0x5b: {  	[tilespmem:s16+$0x20] =	vst v0  }
0x5c: {  	v0 =	vld [tilespmem:s18+$0x30];
	_ =	sdelay $0x4  }
0x5d: {  	v0 =	vadd.s32 s15, v0  }
0x5e: {  	[tilespmem:s16+$0x30] =	vst v0  }
0x5f: {  	v0 =	vld [tilespmem:s18+$0x40];
	_ =	sdelay $0x4  }
0x60: {  	v0 =	vadd.s32 s15, v0  }
0x61: {  	[tilespmem:s16+$0x40] =	vst v0  }
0x62: {  	v0 =	vld [tilespmem:s18+$0x50];
	_ =	sdelay $0x4  }
0x63: {  	v0 =	vadd.s32 s15, v0  }
0x64: {  	[tilespmem:s16+$0x50] =	vst v0  }
0x65: {  	v0 =	vld [tilespmem:s18+$0x60];
	_ =	sdelay $0x4  }
0x66: {  	v0 =	vadd.s32 s15, v0  }
0x67: {  	[tilespmem:s16+$0x60] =	vst v0  }
0x68: {  	v0 =	vld [tilespmem:s18+$0x70];
	_ =	sdelay $0x4  }
0x69: {  	v0 =	vadd.s32 s15, v0  }
0x6a: {  	s14 =	sadd.s32 $0x80, s14;
	[tilespmem:s16+$0x70] =	vst v0  }
0x6b: {  	[tilespmem:s14], [sflag:$0x1] =	stream.indirect.gather [hbm4b:s2+s10], $0x1, s16, s10, $0xb8;
	[tilespmem:$0xAA00] =	vst v63  }
0x6c: {  	s30 =	simm.s32 $0x0;
	s31 =	simm.s32 $0x0;
	_ =	swait.ge [sflag:s11], $0x3400  }
0x6d: {  	s15 =	sand.u32 $0x1FFFFF80, s31;
	s14 =	sand.u32 $0x70, s30;
	[sflag:s11] =	ssyncset.done $0x0  }
0x6e: {  	s14 =	sor.u32 s14, s15;
	[sflag:s11] =	ssyncadd.s32 $0xFFFFCC00  }
0x6f: {  	v0 =	vld [tilespmem:s14+$0x7400];
	_ =	sdelay $0x1  }
0x70: {  	v1 =	vld [tilespmem:s14+$0x7600];
	_ =	sdelay $0x1  }
0x71: {  	v2 =	vld [tilespmem:s14+$0x7800]  }
0x72: {  	v0 =	vadd.f32 $0.0e+00, v0  }
0x73: {  	v3 =	vld [tilespmem:s14+$0x7A00]  }
0x74: {  	v0 =	vadd.f32 v1, v0  }
0x75: {  	v1 =	vld [tilespmem:s14+$0x7C00]  }
0x76: {  	v0 =	vadd.f32 v2, v0  }
0x77: {  	v2 =	vld [tilespmem:s14+$0x7E00]  }
0x78: {  	v0 =	vadd.f32 v3, v0  }
0x79: {  	v3 =	vld [tilespmem:s14+$0x8000]  }
0x7a: {  	v0 =	vadd.f32 v1, v0  }
0x7b: {  	v1 =	vld [tilespmem:s14+$0x8200]  }
0x7c: {  	v0 =	vadd.f32 v2, v0  }
0x7d: {  	v2 =	vld [tilespmem:s14+$0x8400]  }
0x7e: {  	v0 =	vadd.f32 v3, v0  }
0x7f: {  	v3 =	vld [tilespmem:s14+$0x8600]  }
0x80: {  	v0 =	vadd.f32 v1, v0  }
0x81: {  	v1 =	vld [tilespmem:s14+$0x8800]  }
0x82: {  	v0 =	vadd.f32 v2, v0  }
0x83: {  	v2 =	vld [tilespmem:s14+$0x8A00]  }
0x84: {  	v0 =	vadd.f32 v3, v0  }
0x85: {  	v3 =	vld [tilespmem:s14+$0x8C00]  }
0x86: {  	v0 =	vadd.f32 v1, v0  }
0x87: {  	v1 =	vld [tilespmem:s14+$0x8E00]  }
0x88: {  	v0 =	vadd.f32 v2, v0  }
0x89: {  	v2 =	vld [tilespmem:s14+$0x9000]  }
0x8a: {  	v0 =	vadd.f32 v3, v0  }
0x8b: {  	v3 =	vld [tilespmem:s14+$0x9200]  }
0x8c: {  	v0 =	vadd.f32 v1, v0  }
0x8d: {  	v1 =	vld [tilespmem:s14+$0x9400]  }
0x8e: {  	v0 =	vadd.f32 v2, v0  }
0x8f: {  	v2 =	vld [tilespmem:s14+$0x9600]  }
0x90: {  	v0 =	vadd.f32 v3, v0  }
0x91: {  	v3 =	vld [tilespmem:s14+$0x9800]  }
0x92: {  	v0 =	vadd.f32 v1, v0  }
0x93: {  	v1 =	vld [tilespmem:s14+$0x9A00]  }
0x94: {  	v0 =	vadd.f32 v2, v0  }
0x95: {  	v2 =	vld [tilespmem:s14+$0x9C00]  }
0x96: {  	v0 =	vadd.f32 v3, v0  }
0x97: {  	v3 =	vld [tilespmem:s14+$0x9E00]  }
0x98: {  	v0 =	vadd.f32 v1, v0  }
0x99: {  	v1 =	vld [tilespmem:s14+$0xA000]  }
0x9a: {  	v0 =	vadd.f32 v2, v0  }
0x9b: {  	v2 =	vld [tilespmem:s14+$0xA200]  }
0x9c: {  	v0 =	vadd.f32 v3, v0  }
0x9d: {  	v3 =	vld [tilespmem:s14+$0xA400]  }
0x9e: {  	v0 =	vadd.f32 v1, v0  }
0x9f: {  	v1 =	vld [tilespmem:s14+$0xA600]  }
0xa0: {  	v0 =	vadd.f32 v2, v0;
	_ =	sdelay $0x1  }
0xa1: {  	v0 =	vadd.f32 v3, v0  }
0xa2: {  	s17 =	simm.s32 $0x0;
	s18 =	simm.s32 $0x10  }
0xa3: {  	s16 =	simm.s32 $0x80;
	s15 =	simm.s32 $0x10;
	s14 =	simm.s32 $0x40;
	v0 =	vadd.f32 v1, v0  }
.LBB2_4:
0xa4: {  	p0 =	sne.s32 s16, $0x7C0;
	s19 =	sand.u32 $0x70, s15;
	s18 =	sand.u32 $0x1FFFFF80, s18  }
0xa5: {  	s18 =	sor.u32 s19, s18;
	[tilespmem:s17+$0xA800] =	vst v0;
	s17 =	smov.u32 s14;
	s14 =	smov.u32 s16  }
0xa6: {  	v0 =	vld [tilespmem:s18+$0x7400];
	_ =	sdelay $0x1  }
0xa7: {  	v1 =	vld [tilespmem:s18+$0x7600];
	_ =	sdelay $0x1  }
0xa8: {  	v2 =	vld [tilespmem:s18+$0x7800]  }
0xa9: {  	v0 =	vadd.f32 $0.0e+00, v0  }
0xaa: {  	v3 =	vld [tilespmem:s18+$0x7A00]  }
0xab: {  	v0 =	vadd.f32 v1, v0  }
0xac: {  	v1 =	vld [tilespmem:s18+$0x7C00]  }
0xad: {  	v0 =	vadd.f32 v2, v0  }
0xae: {  	v2 =	vld [tilespmem:s18+$0x7E00]  }
0xaf: {  	v0 =	vadd.f32 v3, v0  }
0xb0: {  	v3 =	vld [tilespmem:s18+$0x8000]  }
0xb1: {  	v0 =	vadd.f32 v1, v0  }
0xb2: {  	v1 =	vld [tilespmem:s18+$0x8200]  }
0xb3: {  	v0 =	vadd.f32 v2, v0  }
0xb4: {  	v2 =	vld [tilespmem:s18+$0x8400]  }
0xb5: {  	v0 =	vadd.f32 v3, v0  }
0xb6: {  	v3 =	vld [tilespmem:s18+$0x8600]  }
0xb7: {  	v0 =	vadd.f32 v1, v0  }
0xb8: {  	v1 =	vld [tilespmem:s18+$0x8800]  }
0xb9: {  	v0 =	vadd.f32 v2, v0  }
0xba: {  	v2 =	vld [tilespmem:s18+$0x8A00]  }
0xbb: {  	v0 =	vadd.f32 v3, v0  }
0xbc: {  	v3 =	vld [tilespmem:s18+$0x8C00]  }
0xbd: {  	v0 =	vadd.f32 v1, v0  }
0xbe: {  	v1 =	vld [tilespmem:s18+$0x8E00]  }
0xbf: {  	v0 =	vadd.f32 v2, v0  }
0xc0: {  	v2 =	vld [tilespmem:s18+$0x9000]  }
0xc1: {  	v0 =	vadd.f32 v3, v0  }
0xc2: {  	v3 =	vld [tilespmem:s18+$0x9200]  }
0xc3: {  	v0 =	vadd.f32 v1, v0  }
0xc4: {  	v1 =	vld [tilespmem:s18+$0x9400]  }
0xc5: {  	v0 =	vadd.f32 v2, v0  }
0xc6: {  	v2 =	vld [tilespmem:s18+$0x9600]  }
0xc7: {  	v0 =	vadd.f32 v3, v0  }
0xc8: {  	v3 =	vld [tilespmem:s18+$0x9800]  }
0xc9: {  	v0 =	vadd.f32 v1, v0  }
0xca: {  	v1 =	vld [tilespmem:s18+$0x9A00]  }
0xcb: {  	v0 =	vadd.f32 v2, v0  }
0xcc: {  	v2 =	vld [tilespmem:s18+$0x9C00]  }
0xcd: {  	v0 =	vadd.f32 v3, v0  }
0xce: {  	v3 =	vld [tilespmem:s18+$0x9E00]  }
0xcf: {  	v0 =	vadd.f32 v1, v0  }
0xd0: {  	v1 =	vld [tilespmem:s18+$0xA000]  }
0xd1: {  	v0 =	vadd.f32 v2, v0  }
0xd2: {  	v2 =	vld [tilespmem:s18+$0xA200]  }
0xd3: {  	v0 =	vadd.f32 v3, v0  }
0xd4: {  	v3 =	vld [tilespmem:s18+$0xA400]  }
0xd5: {  	v0 =	vadd.f32 v1, v0  }
0xd6: {  	v1 =	vld [tilespmem:s18+$0xA600]  }
.Ltmp1:
0xd7: {  	v0 =	vadd.f32 v2, v0;
	(pc) =	sbr.rel @p0 .LBB2_4-.Ltmp1, $4  }
0xd8: {  	_ = 	snop  }
0xd9: {  	v0 =	vadd.f32 v3, v0  }
0xda: {  	s15 =	sadd.s32 $0x10, s15  }
0xdb: {  	s16 =	sadd.s32 $0x40, s16;
	s17 =	sshra.s32 s17, $0x2;
	s18 =	sshrl.u32 s14, $0x2;
	v0 =	vadd.f32 v1, v0  }
0xdc: {  	s15 =	sand.u32 $0x70, s15;
	s16 =	sand.u32 $0x1FFFFF80, s18  }
0xdd: {  	s15 =	sor.u32 s15, s16;
	[tilespmem:s17+$0xA800] =	vst v0  }
0xde: {  	v0 =	vld [tilespmem:s15+$0x7400];
	_ =	sdelay $0x1  }
0xdf: {  	v1 =	vld [tilespmem:s15+$0x7600];
	_ =	sdelay $0x1  }
0xe0: {  	v2 =	vld [tilespmem:s15+$0x7800]  }
0xe1: {  	v0 =	vadd.f32 $0.0e+00, v0  }
0xe2: {  	v3 =	vld [tilespmem:s15+$0x7A00]  }
0xe3: {  	v0 =	vadd.f32 v1, v0  }
0xe4: {  	v42 =	vld [tilespmem:s15+$0x7C00]  }
0xe5: {  	v0 =	vadd.f32 v2, v0  }
0xe6: {  	v43 =	vld [tilespmem:s15+$0x7E00]  }
0xe7: {  	v0 =	vadd.f32 v3, v0  }
0xe8: {  	v44 =	vld [tilespmem:s15+$0x8000]  }
0xe9: {  	v0 =	vadd.f32 v42, v0  }
0xea: {  	v45 =	vld [tilespmem:s15+$0x8200]  }
0xeb: {  	v0 =	vadd.f32 v43, v0  }
0xec: {  	v46 =	vld [tilespmem:s15+$0x8400]  }
0xed: {  	v0 =	vadd.f32 v44, v0  }
0xee: {  	v47 =	vld [tilespmem:s15+$0x8600]  }
0xef: {  	v0 =	vadd.f32 v45, v0  }
0xf0: {  	v48 =	vld [tilespmem:s15+$0x8800]  }
0xf1: {  	v0 =	vadd.f32 v46, v0  }
0xf2: {  	v49 =	vld [tilespmem:s15+$0x8A00]  }
0xf3: {  	v0 =	vadd.f32 v47, v0  }
0xf4: {  	v50 =	vld [tilespmem:s15+$0x8C00]  }
0xf5: {  	v0 =	vadd.f32 v48, v0  }
0xf6: {  	v51 =	vld [tilespmem:s15+$0x8E00]  }
0xf7: {  	v0 =	vadd.f32 v49, v0  }
0xf8: {  	v52 =	vld [tilespmem:s15+$0x9000]  }
0xf9: {  	v0 =	vadd.f32 v50, v0  }
0xfa: {  	v53 =	vld [tilespmem:s15+$0x9200]  }
0xfb: {  	v0 =	vadd.f32 v51, v0  }
0xfc: {  	v54 =	vld [tilespmem:s15+$0x9400]  }
0xfd: {  	v0 =	vadd.f32 v52, v0  }
0xfe: {  	v55 =	vld [tilespmem:s15+$0x9600]  }
0xff: {  	v0 =	vadd.f32 v53, v0  }
0x100: {  	v56 =	vld [tilespmem:s15+$0x9800]  }
0x101: {  	v0 =	vadd.f32 v54, v0  }
0x102: {  	v57 =	vld [tilespmem:s15+$0x9A00]  }
0x103: {  	v0 =	vadd.f32 v55, v0  }
0x104: {  	v58 =	vld [tilespmem:s15+$0x9C00]  }
0x105: {  	v0 =	vadd.f32 v56, v0  }
0x106: {  	v59 =	vld [tilespmem:s15+$0x9E00]  }
0x107: {  	v0 =	vadd.f32 v57, v0  }
0x108: {  	v60 =	vld [tilespmem:s15+$0xA000]  }
0x109: {  	v0 =	vadd.f32 v58, v0  }
0x10a: {  	v61 =	vld [tilespmem:s15+$0xA200]  }
0x10b: {  	v0 =	vadd.f32 v59, v0  }
0x10c: {  	v62 =	vld [tilespmem:s15+$0xA400]  }
0x10d: {  	v0 =	vadd.f32 v60, v0  }
0x10e: {  	v63 =	vld [tilespmem:s15+$0xA600]  }
0x10f: {  	v0 =	vadd.f32 v61, v0;
	_ =	sdelay $0x1  }
0x110: {  	v0 =	vadd.f32 v62, v0;
	_ =	sdelay $0x1  }
0x111: {  	s13 =	sadd.s32 $0x1, s13;
	v0 =	vadd.f32 v63, v0  }
0x112: {  	s14 =	sshra.s32 s14, $0x2;
	p0 =	sne.s32 s13, s6  }
.Ltmp2:
0x113: {  	[tilespmem:s14+$0xA800] =	vst v0;
	(pc) =	sbr.rel @p0 .LBB2_1-.Ltmp2, $4  }
0x114: {  	[hbm4b:s5+s3] =	stream.linear.scatter [tilespmem:s12], [sflag:$0x2], $0x200, $0x38;
	[tilespmem:$0xAA00] =	vst v63  }
0x115: {  	_ =	swait.ge [sflag:s9], $0x200  }
0x116: {  	[sflag:s9] =	ssyncset.done $0x0  }
0x117: {  	[sflag:s9] =	ssyncadd.s32 $0xFFFFFE00  }
0x118: {  	_ =	sfence.sel $0x180000  }
0x119: {  	[bflag:$0x0] =	sbarrier.arrive $0xFFFF  }
0x11a: {  	p0 =	sne.s32 s1, $0x0;
	_ =	strace $0x90000047  }
0x11b: {  	s0 =	sadd.s32 @!p0 $0x100000, s0;
	[bflag:$0x2] =	sbarrier.arrive $0xFFFF  }
0x11c: {  	[sflag:s0] =	ssyncadd.tile.s32 @!p0 $0x1;
	_ =	shalt  }
.Lfunc_end2:
_tile_overlayer_lowered:
.L_overlay_start_2:
0x11d: {  	(tag) =	ssettag $0x2  }
0x11e: {  	s0 =	rddreg [dreg:$0x0];
	s2 =	stileid.u32  }
0x11f: {  	s1 =	rddreg [dreg:$0x1];
	p0 =	sne.s32 s2, $0x0  }
0x120: {  	s3 =	rddreg [dreg:$0x2];
	[bflag:$0x3] =	sbarrier.arrive $0xFFFF;
	s2 =	simm.s32 @!p0 $0x1C02  }
0x121: {  	[timem:s3], [sflag:s2] =	dma.local @!p0 [hbm:s0], s1  }
0x122: {  	s0 =	simm.s32 @!p0 $0x2  }
0x123: {  	_ =	swait.ge @!p0 [sflag:s0], s1  }
0x124: {  	s1 =	ssub.s32 @!p0 $0x0, s1;
	[sflag:s0] =	ssyncset.done @!p0 $0x0  }
0x125: {  	[sflag:s0] =	ssyncadd.s32 @!p0 s1  }
0x126: {  	[bflag:$0x3] =	sbarrier.arrive $0xFFFF  }
0x127: {  	_ =	shalt  }

</sc_bundles>
